<compile_context>
chip_gen: v7x
topology: tpu7x:2x2x1
jax: 0.10.2.dev20260603
libtpu: 0.0.44.dev20260713+nightly
codegen_flags: <defaults>
</compile_context>

<pallas_src>
import functools

import jax
import jax.numpy as jnp
from jax import lax
from jax.experimental import pallas as pl
from jax.experimental.pallas import tpu as pltpu
from jax.experimental.pallas import tpu_sc as plsc

NC = 2
NS = 16
NW = NC * NS
L = 16
CHUNK = 128


def _sc_mesh():
    return plsc.VectorSubcoreMesh(
        core_axis_name="c", subcore_axis_name="s", num_cores=NC,
        num_subcores=NS)


@functools.partial(jax.jit, static_argnums=(1, 2))
def _sc_degrees(edge_index, E, NB):
    EP = E // NW
    EP_AL = -(-(EP + 112) // 128) * 128
    assert (NW - 1) * EP - ((NW - 1) * EP) % 128 + EP_AL <= E

    @functools.partial(
        pl.kernel,
        out_type=jax.ShapeDtypeStruct((2 * NW, NB, 128), jnp.float32),
        mesh=_sc_mesh(),
        compiler_params=pltpu.CompilerParams(needs_layout_passes=False),
        scratch_types=[
            pltpu.VMEM((2, EP_AL), jnp.int32),
            pltpu.VMEM((NB, 128), jnp.float32),
            pltpu.VMEM((NB, 128), jnp.float32),
        ],
    )
    def deg_kernel(ei_hbm, out_hbm, sdbuf, hsrc, hdst):
        cid = lax.axis_index("c")
        sid = lax.axis_index("s")
        wid = sid * NC + cid
        base = wid * EP
        base_al = (base // 128) * 128
        off = base - base_al

        zeros = jnp.zeros((L,), jnp.float32)

        def zero_body(i, _):
            r = i // 8
            j = i % 8
            hsrc[r, pl.ds(j * L, L)] = zeros
            hdst[r, pl.ds(j * L, L)] = zeros
            return 0

        lax.fori_loop(0, NB * 8, zero_body, 0)

        pltpu.sync_copy(
            ei_hbm.at[pl.ds(0, 2), pl.ds(base_al, EP_AL)], sdbuf)

        ones = jnp.ones((L,), jnp.float32)
        seven = jnp.int32(7)
        mask = jnp.int32(127)

        def hist_body(i, _):
            s = sdbuf[0, pl.ds(off + i * L, L)]
            d = sdbuf[1, pl.ds(off + i * L, L)]
            plsc.addupdate_scatter(
                hsrc, [lax.shift_right_logical(s, seven), s & mask], ones)
            plsc.addupdate_scatter(
                hdst, [lax.shift_right_logical(d, seven), d & mask], ones)
            return 0

        lax.fori_loop(0, EP // L, hist_body, 0)

        pltpu.sync_copy(hsrc, out_hbm.at[wid])
        pltpu.sync_copy(hdst, out_hbm.at[NW + wid])

    return deg_kernel(edge_index)


def _col_scale(mat_n2_d, norm_nb_128, NB, D):
    nb = jnp.broadcast_to(norm_nb_128[:, None, :], (NB, 128, 128))
    nT = jnp.transpose(nb, (0, 2, 1))
    m3 = mat_n2_d.reshape(NB, 128, D)
    return (m3 * nT).reshape(NB * 128, D)


def _tc_matmul(x, W1, b1, W2, edge_index, X, N2, N, smask, dmask):
    D = x.shape[1]
    E = edge_index.shape[1]
    PAD = X - E

    def body(x_ref, w1_ref, b1_ref, w2_ref, ei_ref, h2_ref, eo_ref):
        h = jnp.dot(x_ref[...], w1_ref[...],
                    preferred_element_type=jnp.float32)
        h = jnp.maximum(h + b1_ref[...][None, :], 0.0)
        h2_ref[pl.ds(0, N), :] = jnp.dot(
            h, w2_ref[...], preferred_element_type=jnp.float32)
        eo_ref[0, pl.ds(0, E)] = ei_ref[0, :]
        eo_ref[1, pl.ds(0, E)] = ei_ref[1, :]
        j = lax.broadcasted_iota(jnp.int32, (PAD,), 0)
        eo_ref[0, pl.ds(E, PAD)] = j & jnp.int32(smask - 1)
        eo_ref[1, pl.ds(E, PAD)] = jnp.int32(N) + (j & jnp.int32(dmask - 1))

    return pl.pallas_call(
        body,
        out_shape=(
            jax.ShapeDtypeStruct((N2, D), jnp.float32),
            jax.ShapeDtypeStruct((2, X), jnp.int32),
        ),
    )(x, W1, b1, W2, edge_index)


def _tc_scale(h2, degp, NB):
    N2, D = h2.shape

    def body(h2_ref, degp_ref, hw_ref, ndst_ref):
        dp = degp_ref[...]
        deg_src = jnp.sum(dp[:NW], axis=0)
        deg_dst = jnp.sum(dp[NW:], axis=0)
        nsrc = jnp.where(deg_src > 0.0,
                         lax.rsqrt(jnp.maximum(deg_src, 1.0)), 0.0)
        ndst = jnp.where(deg_dst > 0.0,
                         lax.rsqrt(jnp.maximum(deg_dst, 1.0)), 0.0)
        ndst_ref[...] = ndst
        hw_ref[...] = _col_scale(h2_ref[...], nsrc, NB, D)

    return pl.pallas_call(
        body,
        out_shape=(
            jax.ShapeDtypeStruct((N2, D), jnp.float32),
            jax.ShapeDtypeStruct((NB, 128), jnp.float32),
        ),
    )(h2, degp)


@functools.partial(jax.jit, static_argnums=(2, 3, 4))
def _sc_scatter(eo, hw, EP2, N, R):
    D = hw.shape[1]
    n_chunks = EP2 // CHUNK
    assert n_chunks % 2 == 0
    rows_per_tile = R // NS
    zb = 64
    n_zero = rows_per_tile // zb

    @functools.partial(
        pl.kernel,
        out_type=jax.ShapeDtypeStruct((2 * R, D), jnp.float32),
        mesh=_sc_mesh(),
        scratch_types=[
            pltpu.VMEM((2, CHUNK), jnp.int32),
            pltpu.VMEM((2, CHUNK), jnp.int32),
            pltpu.VMEM((2, CHUNK), jnp.int32),
            pltpu.VMEM((2, CHUNK), jnp.int32),
            pltpu.VMEM((CHUNK, D), jnp.float32),
            pltpu.VMEM((CHUNK, D), jnp.float32),
            pltpu.VMEM((64, D), jnp.float32),
            pltpu.VMEM_SHARED((R, D), jnp.float32),
            pltpu.SemaphoreType.DMA,
            pltpu.SemaphoreType.DMA,
            pltpu.SemaphoreType.DMA,
            pltpu.SemaphoreType.DMA,
            pltpu.SemaphoreType.DMA,
            pltpu.SemaphoreType.DMA,
            pltpu.SemaphoreType.DMA,
            pltpu.SemaphoreType.DMA,
        ],
    )
    def scat_kernel(eo_hbm, hw_hbm, out_hbm, ixA0, ixA1, ixB0,
                    ixB1, rowsA, rowsB, zbuf, acc_sh, gsA, gsB, ssA, ssB,
                    isA0, isA1, isB0, isB1):
        cid = lax.axis_index("c")
        sid = lax.axis_index("s")
        wid = sid * NC + cid
        ebase = wid * EP2

        def load_idx(ix, sem, c):
            pltpu.async_copy(
                eo_hbm.at[pl.ds(0, 2), pl.ds(ebase + c * CHUNK, CHUNK)],
                ix, sem)

        def wait_idx(ix, sem):
            pltpu.make_async_copy(
                eo_hbm.at[pl.ds(0, 2), pl.ds(0, CHUNK)], ix, sem).wait()

        load_idx(ixA0, isA0, 0)
        load_idx(ixB0, isB0, 1)
        load_idx(ixA1, isA1, 2)
        load_idx(ixB1, isB1, 3)
        wait_idx(ixA0, isA0)
        pltpu.async_copy(hw_hbm.at[ixA0.at[0]], rowsA, gsA)
        wait_idx(ixB0, isB0)
        pltpu.async_copy(hw_hbm.at[ixB0.at[0]], rowsB, gsB)

        zeros = jnp.zeros((L,), jnp.float32)

        def zrow(i, _):
            r = i // (D // L)
            j = i % (D // L)
            zbuf[r, pl.ds(j * L, L)] = zeros
            return 0

        lax.fori_loop(0, zb * (D // L), zrow, 0)

        for b in range(n_zero):
            pltpu.sync_copy(
                zbuf.at[pl.ds(0, zb)],
                acc_sh.at[pl.ds(sid * rows_per_tile + b * zb, zb)])
        plsc.subcore_barrier()

        def half(c, ix_cur_A, is_cur_A, ix_nxt_A, is_nxt_A,
                 ix_cur_B, is_cur_B, ix_nxt_B, is_nxt_B):
            pltpu.make_async_copy(hw_hbm.at[ix_cur_A.at[0]], rowsA,
                                  gsA).wait()
            pltpu.async_copy(rowsA, acc_sh.at[ix_cur_A.at[1]], ssA,
                             add=True)
            pltpu.make_async_copy(hw_hbm.at[ix_cur_B.at[0]], rowsB,
                                  gsB).wait()
            pltpu.async_copy(rowsB, acc_sh.at[ix_cur_B.at[1]], ssB,
                             add=True)

            pltpu.make_async_copy(rowsA, acc_sh.at[ix_cur_A.at[1]],
                                  ssA).wait()

            @pl.when(c + 2 < n_chunks)
            def _():
                wait_idx(ix_nxt_A, is_nxt_A)
                pltpu.async_copy(hw_hbm.at[ix_nxt_A.at[0]], rowsA, gsA)

            @pl.when(c + 4 < n_chunks)
            def _():
                load_idx(ix_cur_A, is_cur_A, c + 4)

            pltpu.make_async_copy(rowsB, acc_sh.at[ix_cur_B.at[1]],
                                  ssB).wait()

            @pl.when(c + 3 < n_chunks)
            def _():
                wait_idx(ix_nxt_B, is_nxt_B)
                pltpu.async_copy(hw_hbm.at[ix_nxt_B.at[0]], rowsB, gsB)

            @pl.when(c + 5 < n_chunks)
            def _():
                load_idx(ix_cur_B, is_cur_B, c + 5)

            return 0

        def quad_body(i, _):
            c = i * 4
            half(c, ixA0, isA0, ixA1, isA1, ixB0, isB0, ixB1, isB1)
            half(c + 2, ixA1, isA1, ixA0, isA0, ixB1, isB1, ixB0, isB0)
            return 0

        lax.fori_loop(0, n_chunks // 4, quad_body, 0)
        plsc.subcore_barrier()

        pltpu.sync_copy(
            acc_sh.at[pl.ds(sid * rows_per_tile, rows_per_tile)],
            out_hbm.at[pl.ds(cid * R + sid * rows_per_tile, rows_per_tile)])

    return scat_kernel(eo, hw)


def _tc_final(accp, ndst, b2, W3, b3, NB, R, N):
    D = accp.shape[1]
    DO = W3.shape[1]
    N2 = NB * 128

    def body(accp_ref, ndst_ref, b2_ref, w3_ref, b3_ref, out_ref):
        a = accp_ref[:N2, :] + accp_ref[R:R + N2, :]
        h2 = _col_scale(a, ndst_ref[...], NB, D) + b2_ref[...][None, :]
        h2 = jnp.maximum(h2, 0.0)
        res = lax.dot_general(w3_ref[...], h2,
                              (((0,), (1,)), ((), ())),
                              preferred_element_type=jnp.float32)
        out_ref[...] = res + b3_ref[...][:, None]

    return pl.pallas_call(
        body,
        out_shape=jax.ShapeDtypeStruct((DO, N2), jnp.float32),
    )(accp, ndst, b2, W3, b3)


def kernel(x, edge_index, W_lin0, b_lin0, W_conv0, b_conv0, W_out, b_out):
    N, D = x.shape
    E = edge_index.shape[1]
    NB = -(-N // 128)
    N2 = NB * 128

    degp = _sc_degrees(edge_index, E, NB)

    n_chunks = -(-(-(-E // (NW * CHUNK))) // 8) * 8
    EP2 = n_chunks * CHUNK
    X = EP2 * NW
    R = -(-N // (NS * 128)) * (NS * 128)
    if X > E and R == N:
        R += NS * 128
    n_dummy = max(R - N, 1)
    dmask = 1
    while dmask * 2 <= n_dummy:
        dmask *= 2
    smask = 1
    while smask * 2 <= N:
        smask *= 2

    h2, eo = _tc_matmul(x, W_lin0, b_lin0, W_conv0, edge_index, X, N2, N,
                        smask, dmask)
    hw, ndst = _tc_scale(h2, degp, NB)
    accp = _sc_scatter(eo, hw, EP2, N, R)
    outT = _tc_final(accp, ndst, b_conv0, W_out, b_out, NB, R, N)
    return outT.T[:N]

# --- scband reference (transcript-rebuilt; emitter-appended) ---
"""Pipeline reference for scband-net-first-linear-then-graph-conv-2018634629688 (READ-ONLY COPY).

The authoritative reference and input builder live on the scoring server;
editing this copy changes nothing except your own understanding.
"""

import jax, jax.numpy as jnp
import numpy as np

N = 10000
E = 320000
D_IN = 128
D_HID = 128
D_OUT = 2


def setup_inputs(seed: int = 0) -> dict:
    key = jax.random.key(seed)
    ks = jax.random.split(key, 10)
    x = jax.random.normal(ks[0], (N, D_IN), dtype=jnp.float32)
    edge_index = jax.random.randint(ks[1], (2, E), 0, N, dtype=jnp.int32)
    # NetLinear: single hidden linear layer (hidden_linear_sizes=[128])
    W_lin0 = jax.random.normal(ks[2], (D_IN, D_HID), dtype=jnp.float32) * (1.0 / np.sqrt(D_IN))
    b_lin0 = jnp.zeros((D_HID,), dtype=jnp.float32)
    # NetGraphConv: single GraphConv layer (hidden_conv_sizes=[128])
    W_conv0 = jax.random.normal(ks[3], (D_HID, D_HID), dtype=jnp.float32) * (1.0 / np.sqrt(D_HID))
    b_conv0 = jnp.zeros((D_HID,), dtype=jnp.float32)
    # last_linear_layer
    W_out = jax.random.normal(ks[4], (D_HID, D_OUT), dtype=jnp.float32) * (1.0 / np.sqrt(D_HID))
    b_out = jnp.zeros((D_OUT,), dtype=jnp.float32)
    return {
        "x": x,
        "edge_index": edge_index,
        "W_lin0": W_lin0,
        "b_lin0": b_lin0,
        "W_conv0": W_conv0,
        "b_conv0": b_conv0,
        "W_out": W_out,
        "b_out": b_out,
    }


def _graph_conv(h, src, dst, W, b):
    # DGL GraphConv with norm='both':
    # h' = D_in^{-1/2} * A^T * (D_out^{-1/2} * h W) + b
    ones = jnp.ones((E,), dtype=jnp.float32)
    deg_out = jax.ops.segment_sum(ones, src, num_segments=N)
    deg_in = jax.ops.segment_sum(ones, dst, num_segments=N)
    norm_src = jnp.where(deg_out > 0, jax.lax.rsqrt(jnp.maximum(deg_out, 1.0)), 0.0)
    norm_dst = jnp.where(deg_in > 0, jax.lax.rsqrt(jnp.maximum(deg_in, 1.0)), 0.0)
    hw = h @ W
    hw = hw * norm_src[:, None]
    msgs = jnp.take(hw, src, axis=0)
    agg = jax.ops.segment_sum(msgs, dst, num_segments=N)
    return agg * norm_dst[:, None] + b


def reference(x, edge_index, W_lin0, b_lin0, W_conv0, b_conv0, W_out, b_out):
    src = edge_index[0]
    dst = edge_index[1]
    # hidden_linear_net: Linear -> ReLU (dropout is identity in eval)
    h = jax.nn.relu(x @ W_lin0 + b_lin0)
    # hidden_conv_net: GraphConv -> ReLU
    h = jax.nn.relu(_graph_conv(h, src, dst, W_conv0, b_conv0))
    # last linear layer
    out = h @ W_out + b_out
    return out

if __name__ == "__main__":
    import jax
    _d = setup_inputs()
    print(jax.jit(kernel)(*tuple(_d.values())))

</pallas_src>

<mosaic_0001>
#map = affine_map<(d0, d1) -> (0, 0)>
#map1 = affine_map<(d0, d1) -> (0, 0, 0)>
module attributes {stable_mosaic.version = 14 : i64} {
  func.func @deg_kernel(%arg0: i32, %arg1: i32, %arg2: memref<2x320000xi32, #tpu.memory_space<hbm>>, %arg3: memref<64x79x128xf32, #tpu.memory_space<hbm>>, %arg4: memref<2x10112xi32, #tpu.memory_space<vmem>>, %arg5: memref<79x128xf32, #tpu.memory_space<vmem>>, %arg6: memref<79x128xf32, #tpu.memory_space<vmem>>) attributes {dimension_semantics = [#tpu.dimension_semantics<core_parallel>, #tpu.dimension_semantics<subcore_parallel>], iteration_bounds = array<i64: 2, 16>, scalar_prefetch = 0 : i64, scratch_operands = 3 : i64, tpu.core_type = #tpu.core_type<sc_vector_subcore>, window_params = [{transform_indices = #map}, {transform_indices = #map1}]} {
    %mul3A = arith.constant 2 : i32
    %mul3A_0 = arith.muli %arg1, %mul3A : i32
    %add3A = arith.addi %mul3A_0, %arg0 : i32
    %mul3A_1 = arith.constant 10000 : i32
    %mul3A_2 = arith.muli %add3A, %mul3A_1 : i32
    %jit3A = arith.constant 128 : i32
    %div3A = arith.divsi %mul3A_2, %jit3A : i32
    %sign3A = arith.constant 0 : i32
    %sign3A_3 = arith.cmpi sgt, %mul3A_2, %sign3A : i32
    %sign3A_4 = arith.extui %sign3A_3 : i1 to i32
    %sign3A_5 = arith.constant 0 : i32
    %sign3A_6 = arith.cmpi slt, %mul3A_2, %sign3A_5 : i32
    %sign3A_7 = arith.extui %sign3A_6 : i1 to i32
    %sign3A_8 = arith.subi %sign3A_4, %sign3A_7 : i32
    %sign3A_9 = arith.constant 0 : i32
    %sign3A_10 = arith.cmpi sgt, %jit3A, %sign3A_9 : i32
    %sign3A_11 = arith.extui %sign3A_10 : i1 to i32
    %sign3A_12 = arith.constant 0 : i32
    %sign3A_13 = arith.cmpi slt, %jit3A, %sign3A_12 : i32
    %sign3A_14 = arith.extui %sign3A_13 : i1 to i32
    %sign3A_15 = arith.subi %sign3A_11, %sign3A_14 : i32
    %ne3A = arith.cmpi ne, %sign3A_8, %sign3A_15 : i32
    %rem3A = arith.remsi %mul3A_2, %jit3A : i32
    %ne3A_16 = arith.constant 0 : i32
    %ne3A_17 = arith.cmpi ne, %rem3A, %ne3A_16 : i32
    %and3A = arith.andi %ne3A, %ne3A_17 : i1
    %sub3A = arith.constant 1 : i32
    %sub3A_18 = arith.subi %div3A, %sub3A : i32
    %select_n3A = arith.select %and3A, %sub3A_18, %div3A : i32
    %mul3A_19 = arith.constant 128 : i32
    %mul3A_20 = arith.muli %select_n3A, %mul3A_19 : i32
    %sub3A_21 = arith.subi %mul3A_2, %mul3A_20 : i32
    %broadcast_in_dim3A = arith.constant 0.000000e+00 : f32
    %broadcast_in_dim3A_22 = vector.broadcast %broadcast_in_dim3A : f32 to vector<16xf32>
    %scan3A = arith.constant 0 : i32
    %scan3A_23 = arith.constant 0 : i32
    %scan3A_24 = arith.constant 632 : i32
    %scan3A_25 = arith.addi %scan3A_23, %scan3A_24 : i32
    %scan3A_26 = arith.constant 1 : i32
    %scan3A_27 = scf.for %scan3A_42 = %scan3A_23 to %scan3A_25 step %scan3A_26 iter_args(%scan3A_43 = %scan3A) -> (i32)  : i32 {
      %jit3A_44 = arith.constant 8 : i32
      %div3A_45 = arith.divsi %scan3A_42, %jit3A_44 : i32
      %sign3A_46 = arith.constant 0 : i32
      %sign3A_47 = arith.cmpi sgt, %scan3A_42, %sign3A_46 : i32
      %sign3A_48 = arith.extui %sign3A_47 : i1 to i32
      %sign3A_49 = arith.constant 0 : i32
      %sign3A_50 = arith.cmpi slt, %scan3A_42, %sign3A_49 : i32
      %sign3A_51 = arith.extui %sign3A_50 : i1 to i32
      %sign3A_52 = arith.subi %sign3A_48, %sign3A_51 : i32
      %sign3A_53 = arith.constant 0 : i32
      %sign3A_54 = arith.cmpi sgt, %jit3A_44, %sign3A_53 : i32
      %sign3A_55 = arith.extui %sign3A_54 : i1 to i32
      %sign3A_56 = arith.constant 0 : i32
      %sign3A_57 = arith.cmpi slt, %jit3A_44, %sign3A_56 : i32
      %sign3A_58 = arith.extui %sign3A_57 : i1 to i32
      %sign3A_59 = arith.subi %sign3A_55, %sign3A_58 : i32
      %ne3A_60 = arith.cmpi ne, %sign3A_52, %sign3A_59 : i32
      %rem3A_61 = arith.remsi %scan3A_42, %jit3A_44 : i32
      %ne3A_62 = arith.constant 0 : i32
      %ne3A_63 = arith.cmpi ne, %rem3A_61, %ne3A_62 : i32
      %and3A_64 = arith.andi %ne3A_60, %ne3A_63 : i1
      %sub3A_65 = arith.constant 1 : i32
      %sub3A_66 = arith.subi %div3A_45, %sub3A_65 : i32
      %select_n3A_67 = arith.select %and3A_64, %sub3A_66, %div3A_45 : i32
      %jit3A_68 = arith.constant 8 : i32
      %eq3A = arith.constant 0 : i32
      %eq3A_69 = arith.cmpi eq, %jit3A_68, %eq3A : i32
      %jit3A_70 = arith.constant 1 : i32
      %select_n3A_71 = arith.select %eq3A_69, %jit3A_70, %jit3A_68 : i32
      %rem3A_72 = arith.remsi %scan3A_42, %select_n3A_71 : i32
      %ne3A_73 = arith.constant 0 : i32
      %ne3A_74 = arith.cmpi ne, %rem3A_72, %ne3A_73 : i32
      %lt3A = arith.constant 0 : i32
      %lt3A_75 = arith.cmpi slt, %rem3A_72, %lt3A : i32
      %lt3A_76 = arith.constant 0 : i32
      %lt3A_77 = arith.cmpi slt, %select_n3A_71, %lt3A_76 : i32
      %ne3A_78 = arith.xori %lt3A_75, %lt3A_77 : i1
      %and3A_79 = arith.andi %ne3A_78, %ne3A_74 : i1
      %add3A_80 = arith.addi %rem3A_72, %select_n3A_71 : i32
      %select_n3A_81 = arith.select %and3A_79, %add3A_80, %rem3A_72 : i32
      %mul3A_82 = arith.constant 16 : i32
      %mul3A_83 = arith.muli %select_n3A_81, %mul3A_82 : i32
      %swap3A = arith.index_cast %select_n3A_67 : i32 to index
      %swap3A_84 = arith.index_cast %mul3A_83 : i32 to index
      %swap3A_85 = tpu.vector_load %arg5[%swap3A, %swap3A_84] {strides = array<i32>} : memref<79x128xf32, #tpu.memory_space<vmem>>, vector<16xf32>,
      tpu.vector_store %arg5[%swap3A, %swap3A_84], %broadcast_in_dim3A_22 {strides = array<i32>} : memref<79x128xf32, #tpu.memory_space<vmem>>, vector<16xf32>,
      %mul3A_86 = arith.constant 16 : i32
      %mul3A_87 = arith.muli %select_n3A_81, %mul3A_86 : i32
      %swap3A_88 = arith.index_cast %select_n3A_67 : i32 to index
      %swap3A_89 = arith.index_cast %mul3A_87 : i32 to index
      %swap3A_90 = tpu.vector_load %arg6[%swap3A_88, %swap3A_89] {strides = array<i32>} : memref<79x128xf32, #tpu.memory_space<vmem>>, vector<16xf32>,
      tpu.vector_store %arg6[%swap3A_88, %swap3A_89], %broadcast_in_dim3A_22 {strides = array<i32>} : memref<79x128xf32, #tpu.memory_space<vmem>>, vector<16xf32>,
      %scan3A_91 = arith.constant 0 : i32
      scf.yield %scan3A_91 : i32
    }
    %scan3A_28 = arith.constant 632 : i32
    "tpu.region"() ({
      %run_scoped3A = tpu.sem_alloc : memref<!tpu.dma_semaphore, #tpu.memory_space<semaphore_mem>>
      %dma_start3A = arith.constant 0 : i32
      %dma_start3A_42 = tpu.memref_slice %arg2[%dma_start3A, %mul3A_20] : memref<2x320000xi32, #tpu.memory_space<hbm>> -> memref<2x10112xi32, #tpu.memory_space<hbm>>
      %dma_start3A_43 = arith.constant 0 : i32
      %dma_start3A_44 = tpu.memref_slice %arg2[%dma_start3A_43, %mul3A_20] : memref<2x320000xi32, #tpu.memory_space<hbm>> -> memref<2x10112xi32, #tpu.memory_space<hbm>>
      tpu.enqueue_dma source(%dma_start3A_44 : memref<2x10112xi32, #tpu.memory_space<hbm>>) target(%arg4 : memref<2x10112xi32, #tpu.memory_space<vmem>>) target_semaphore(%run_scoped3A : memref<!tpu.dma_semaphore, #tpu.memory_space<semaphore_mem>>)
      %dma_wait3A = arith.constant 0 : i32
      %dma_wait3A_45 = tpu.memref_slice %arg2[%dma_wait3A, %mul3A_20] : memref<2x320000xi32, #tpu.memory_space<hbm>> -> memref<2x10112xi32, #tpu.memory_space<hbm>>
      %dma_wait3A_46 = arith.constant 0 : i32
      %dma_wait3A_47 = tpu.memref_slice %arg2[%dma_wait3A_46, %mul3A_20] : memref<2x320000xi32, #tpu.memory_space<hbm>> -> memref<2x10112xi32, #tpu.memory_space<hbm>>
      tpu.wait_dma2 semaphore(%run_scoped3A : memref<!tpu.dma_semaphore, #tpu.memory_space<semaphore_mem>>) src(%dma_wait3A_47 : memref<2x10112xi32, #tpu.memory_space<hbm>>) dst(%arg4 : memref<2x10112xi32, #tpu.memory_space<vmem>>)
      tpu.yield
    }) : () -> ()
    %broadcast_in_dim3A_29 = arith.constant 1.000000e+00 : f32
    %broadcast_in_dim3A_30 = vector.broadcast %broadcast_in_dim3A_29 : f32 to vector<16xf32>
    %scan3A_31 = arith.constant 7 : i32
    %scan3A_32 = arith.constant 127 : i32
    %scan3A_33 = arith.constant 0 : i32
    %scan3A_34 = arith.constant 0 : i32
    %scan3A_35 = arith.constant 625 : i32
    %scan3A_36 = arith.addi %scan3A_34, %scan3A_35 : i32
    %scan3A_37 = arith.constant 1 : i32
    %scan3A_38 = scf.for %scan3A_42 = %scan3A_34 to %scan3A_36 step %scan3A_37 iter_args(%scan3A_43 = %scan3A_33) -> (i32)  : i32 {
      %mul3A_44 = arith.constant 16 : i32
      %mul3A_45 = arith.muli %scan3A_42, %mul3A_44 : i32
      %add3A_46 = arith.addi %sub3A_21, %mul3A_45 : i32
      %get3A = arith.constant 0 : i32
      %get3A_47 = arith.index_cast %get3A : i32 to index
      %get3A_48 = arith.index_cast %add3A_46 : i32 to index
      %get3A_49 = tpu.vector_load %arg4[%get3A_47, %get3A_48] {strides = array<i32>} : memref<2x10112xi32, #tpu.memory_space<vmem>>, vector<16xi32>,
      %mul3A_50 = arith.constant 16 : i32
      %mul3A_51 = arith.muli %scan3A_42, %mul3A_50 : i32
      %add3A_52 = arith.addi %sub3A_21, %mul3A_51 : i32
      %get3A_53 = arith.constant 1 : i32
      %get3A_54 = arith.index_cast %get3A_53 : i32 to index
      %get3A_55 = arith.index_cast %add3A_52 : i32 to index
      %get3A_56 = tpu.vector_load %arg4[%get3A_54, %get3A_55] {strides = array<i32>} : memref<2x10112xi32, #tpu.memory_space<vmem>>, vector<16xi32>,
      %shift_right_logical3A = vector.broadcast %scan3A_31 : i32 to vector<16xi32>
      %shift_right_logical3A_57 = arith.shrui %get3A_49, %shift_right_logical3A : vector<16xi32>
      %and3A_58 = vector.broadcast %scan3A_32 : i32 to vector<16xi32>
      %and3A_59 = arith.andi %get3A_49, %and3A_58 : vector<16xi32>
      tpu.vector_store_idx %arg5[%shift_right_logical3A_57, %and3A_59], %broadcast_in_dim3A_30 {add = true} : memref<79x128xf32, #tpu.memory_space<vmem>>[vector<16xi32>, vector<16xi32>], vector<16xf32>,
      %shift_right_logical3A_60 = vector.broadcast %scan3A_31 : i32 to vector<16xi32>
      %shift_right_logical3A_61 = arith.shrui %get3A_56, %shift_right_logical3A_60 : vector<16xi32>
      %and3A_62 = vector.broadcast %scan3A_32 : i32 to vector<16xi32>
      %and3A_63 = arith.andi %get3A_56, %and3A_62 : vector<16xi32>
      tpu.vector_store_idx %arg6[%shift_right_logical3A_61, %and3A_63], %broadcast_in_dim3A_30 {add = true} : memref<79x128xf32, #tpu.memory_space<vmem>>[vector<16xi32>, vector<16xi32>], vector<16xf32>,
      %scan3A_64 = arith.constant 0 : i32
      scf.yield %scan3A_64 : i32
    }
    %scan3A_39 = arith.constant 625 : i32
    "tpu.region"() ({
      %run_scoped3A = tpu.sem_alloc : memref<!tpu.dma_semaphore, #tpu.memory_space<semaphore_mem>>
      %dma_start3A = arith.constant 0 : i32
      %dma_start3A_42 = arith.constant 0 : i32
      %dma_start3A_43 = tpu.memref_slice %arg3[%add3A, %dma_start3A, %dma_start3A_42] : memref<64x79x128xf32, #tpu.memory_space<hbm>> -> memref<1x79x128xf32, #tpu.memory_space<hbm>>
      %dma_start3A_44 = tpu.memref_squeeze %dma_start3A_43 : memref<1x79x128xf32, #tpu.memory_space<hbm>> -> memref<79x128xf32, #tpu.memory_space<hbm>>
      %dma_start3A_45 = arith.constant 0 : i32
      %dma_start3A_46 = arith.constant 0 : i32
      %dma_start3A_47 = tpu.memref_slice %arg3[%add3A, %dma_start3A_45, %dma_start3A_46] : memref<64x79x128xf32, #tpu.memory_space<hbm>> -> memref<1x79x128xf32, #tpu.memory_space<hbm>>
      %dma_start3A_48 = tpu.memref_squeeze %dma_start3A_47 : memref<1x79x128xf32, #tpu.memory_space<hbm>> -> memref<79x128xf32, #tpu.memory_space<hbm>>
      tpu.enqueue_dma source(%arg5 : memref<79x128xf32, #tpu.memory_space<vmem>>) target(%dma_start3A_48 : memref<79x128xf32, #tpu.memory_space<hbm>>) target_semaphore(%run_scoped3A : memref<!tpu.dma_semaphore, #tpu.memory_space<semaphore_mem>>)
      %dma_wait3A = arith.constant 0 : i32
      %dma_wait3A_49 = arith.constant 0 : i32
      %dma_wait3A_50 = tpu.memref_slice %arg3[%add3A, %dma_wait3A, %dma_wait3A_49] : memref<64x79x128xf32, #tpu.memory_space<hbm>> -> memref<1x79x128xf32, #tpu.memory_space<hbm>>
      %dma_wait3A_51 = tpu.memref_squeeze %dma_wait3A_50 : memref<1x79x128xf32, #tpu.memory_space<hbm>> -> memref<79x128xf32, #tpu.memory_space<hbm>>
      %dma_wait3A_52 = arith.constant 0 : i32
      %dma_wait3A_53 = arith.constant 0 : i32
      %dma_wait3A_54 = tpu.memref_slice %arg3[%add3A, %dma_wait3A_52, %dma_wait3A_53] : memref<64x79x128xf32, #tpu.memory_space<hbm>> -> memref<1x79x128xf32, #tpu.memory_space<hbm>>
      %dma_wait3A_55 = tpu.memref_squeeze %dma_wait3A_54 : memref<1x79x128xf32, #tpu.memory_space<hbm>> -> memref<79x128xf32, #tpu.memory_space<hbm>>
      tpu.wait_dma2 semaphore(%run_scoped3A : memref<!tpu.dma_semaphore, #tpu.memory_space<semaphore_mem>>) src(%arg5 : memref<79x128xf32, #tpu.memory_space<vmem>>) dst(%dma_wait3A_55 : memref<79x128xf32, #tpu.memory_space<hbm>>)
      tpu.yield
    }) : () -> ()
    %add3A_40 = arith.constant 32 : i32
    %add3A_41 = arith.addi %add3A_40, %add3A : i32
    "tpu.region"() ({
      %run_scoped3A = tpu.sem_alloc : memref<!tpu.dma_semaphore, #tpu.memory_space<semaphore_mem>>
      %dma_start3A = arith.constant 0 : i32
      %dma_start3A_42 = arith.constant 0 : i32
      %dma_start3A_43 = tpu.memref_slice %arg3[%add3A_41, %dma_start3A, %dma_start3A_42] : memref<64x79x128xf32, #tpu.memory_space<hbm>> -> memref<1x79x128xf32, #tpu.memory_space<hbm>>
      %dma_start3A_44 = tpu.memref_squeeze %dma_start3A_43 : memref<1x79x128xf32, #tpu.memory_space<hbm>> -> memref<79x128xf32, #tpu.memory_space<hbm>>
      %dma_start3A_45 = arith.constant 0 : i32
      %dma_start3A_46 = arith.constant 0 : i32
      %dma_start3A_47 = tpu.memref_slice %arg3[%add3A_41, %dma_start3A_45, %dma_start3A_46] : memref<64x79x128xf32, #tpu.memory_space<hbm>> -> memref<1x79x128xf32, #tpu.memory_space<hbm>>
      %dma_start3A_48 = tpu.memref_squeeze %dma_start3A_47 : memref<1x79x128xf32, #tpu.memory_space<hbm>> -> memref<79x128xf32, #tpu.memory_space<hbm>>
      tpu.enqueue_dma source(%arg6 : memref<79x128xf32, #tpu.memory_space<vmem>>) target(%dma_start3A_48 : memref<79x128xf32, #tpu.memory_space<hbm>>) target_semaphore(%run_scoped3A : memref<!tpu.dma_semaphore, #tpu.memory_space<semaphore_mem>>)
      %dma_wait3A = arith.constant 0 : i32
      %dma_wait3A_49 = arith.constant 0 : i32
      %dma_wait3A_50 = tpu.memref_slice %arg3[%add3A_41, %dma_wait3A, %dma_wait3A_49] : memref<64x79x128xf32, #tpu.memory_space<hbm>> -> memref<1x79x128xf32, #tpu.memory_space<hbm>>
      %dma_wait3A_51 = tpu.memref_squeeze %dma_wait3A_50 : memref<1x79x128xf32, #tpu.memory_space<hbm>> -> memref<79x128xf32, #tpu.memory_space<hbm>>
      %dma_wait3A_52 = arith.constant 0 : i32
      %dma_wait3A_53 = arith.constant 0 : i32
      %dma_wait3A_54 = tpu.memref_slice %arg3[%add3A_41, %dma_wait3A_52, %dma_wait3A_53] : memref<64x79x128xf32, #tpu.memory_space<hbm>> -> memref<1x79x128xf32, #tpu.memory_space<hbm>>
      %dma_wait3A_55 = tpu.memref_squeeze %dma_wait3A_54 : memref<1x79x128xf32, #tpu.memory_space<hbm>> -> memref<79x128xf32, #tpu.memory_space<hbm>>
      tpu.wait_dma2 semaphore(%run_scoped3A : memref<!tpu.dma_semaphore, #tpu.memory_space<semaphore_mem>>) src(%arg6 : memref<79x128xf32, #tpu.memory_space<vmem>>) dst(%dma_wait3A_55 : memref<79x128xf32, #tpu.memory_space<hbm>>)
      tpu.yield
    }) : () -> ()
    return
  }
}

</mosaic_0001>

<sc_bundles>
// kernel: _sc_degrees.3.cloned.1.call-start
scs
__scs_entry_jumppad:
0x0: {  	(pc) =	sbr.rel $0x88, $3  }
0x1: {  	(tag) =	ssettag $0x0;
	lr =	simm.s32 $0x1  }
0x2: {  	[smem:$0x3FA0] =	sst lr;
	_ =	strace $0xD0000000  }
0x3: {  	_ = 	snop  }
0x4: {  	_ = 	snop  }
0x5: {  	_ = 	snop  }
0x6: {  	_ = 	snop  }
0x7: {  	_ = 	snop  }
__scs_overlays_trampoline_lowered:
0x8: {  	[smem:$0x3FAF] =	sst s0  }
0x9: {  	[smem:$0x3FB0] =	sst s1  }
0xa: {  	[smem:$0x3FB1] =	sst s2  }
0xb: {  	[smem:$0x3FB2] =	sst s3  }
0xc: {  	[smem:$0x3FB3] =	sst s4  }
0xd: {  	[smem:$0x3FB4] =	sst s5  }
0xe: {  	[smem:$0x3FB5] =	sst s6  }
0xf: {  	[smem:$0x3FB6] =	sst s7  }
0x10: {  	[smem:$0x3FB7] =	sst s8  }
0x11: {  	[smem:$0x3FB8] =	sst s9;
	s0 =	simm.s32 @!p0 $0x0  }
0x12: {  	s1 =	sld [smem:$0x3F9E];
	s0 =	simm.s32 @p0 $0x1  }
0x13: {  	[smem:$0x3FB9] =	sst s0;
	s0 =	simm.s32 @!p1 $0x0  }
0x14: {  	s2 =	sld [smem:$0x3F9D];
	s0 =	simm.s32 @p1 $0x1  }
0x15: {  	[smem:$0x3FBA] =	sst s0;
	s0 =	simm.s32 @!p2 $0x0  }
0x16: {  	s3 =	sld [smem:$0x3FDB];
	s0 =	simm.s32 @p2 $0x1  }
0x17: {  	s4 =	simm.s32 $0x1BF5;
	[smem:$0x3FBC] =	sst s0  }
0x18: {  	s0 =	sld [smem:$0x3F9F];
	_ =	swait.ge [sflag:s4], $0x0  }
0x19: {  	s7 =	sld [smem:$0x3FA0]  }
0x1a: {  	s8 =	sadd.s32 $0xFFFFE003, lr  }
0x1b: {  	s9 =	sadd.s32 $0xFFFFFEF7, lr;
	s5 =	simm.s32 $0xFFFFFFFF;
	p2 =	slt.u32 s8, $0xFFFFF086  }
0x1c: {  	p1 =	slt.u32 s9, $0xF7A;
	s5 =	simm.s32 @!p2 $0x0  }
0x1d: {  	s5 =	simm.s32 @p1 $0x1;
	p0 =	seq.s32 s7, s2  }
0x1e: {  	s7 =	smul.u32 @!p0 $0xF7A, s2;
	p2 =	seq.s32 @!p0 s5, $0x0  }
0x1f: {  	s9 =	smul.u32 $0xF7A, s1;
	s8 =	simm.s32 @!p0 $0x1BF5;
	p2 =	por !p2, p0  }
0x20: {  	[sflag:s8] =	ssyncset.s32 @!p0 $0xFFFFF086;
	s6 =	sadd.s32 @!p0 s3, s7;
	s7 =	simm.s32 @!p0 $0x108  }
0x21: {  	s3 =	sadd.s32 s3, s9;
	s6 =	sadd.s32 @!p0 $0x88, s6;
	s7 =	simm.s32 @p2 $0x1082  }
0x22: {  	[simem:s7], [sflag:s8] =	dma.local @!p0 [hbm:s6], $0xF7A  }
0x23: {  	s9 =	sor.u32 $0xD0000000, s2;
	s6 =	simm.s32 $0x108;
	_ =	swait.ge @!p0 [sflag:s8], $0x0  }
0x24: {  	s3 =	sadd.s32 $0x88, s3;
	s6 =	simm.s32 @!p1 $0x1082;
	[sflag:s4] =	ssyncset.s32 $0xFFFFF086  }
0x25: {  	[simem:s6], [sflag:s4] =	dma.local [hbm:s3], $0xF7A  }
0x26: {  	[smem:$0x3FA0] =	sst s1;
	(tag) =	ssettag s2;
	_ =	strace s9  }
0x27: {  	s1 =	sld [smem:$0x3FB0]  }
0x28: {  	s2 =	sld [smem:$0x3FB1]  }
0x29: {  	s4 =	sld [smem:$0x3FB3]  }
0x2a: {  	p0 =	seq.s32 s5, $0x0;
	s5 =	sld [smem:$0x3FB4]  }
0x2b: {  	s6 =	sld [smem:$0x3FB5]  }
0x2c: {  	s7 =	sld [smem:$0x3FB6]  }
0x2d: {  	s3 =	simm.s32 $0x108;
	s8 =	sld [smem:$0x3FB7]  }
0x2e: {  	s3 =	simm.s32 @!p0 $0x1082;
	s9 =	sld [smem:$0x3FB8]  }
0x2f: {  	lr =	sadd.s32 s0, s3;
	s0 =	sld [smem:$0x3FAF]  }
0x30: {  	s3 =	sld [smem:$0x3FB2]  }
0x31: {  	[smem:$0x3FBB] =	sst s10  }
0x32: {  	s10 =	sld [smem:$0x3FB9];
	_ =	sdelay $0x3  }
0x33: {  	p0 =	seq.s32 s10, $0x1;
	s10 =	sld [smem:$0x3FBB];
	_ =	sdelay $0x3  }
0x34: {  	[smem:$0x3FBB] =	sst s10  }
0x35: {  	s10 =	sld [smem:$0x3FBA];
	_ =	sdelay $0x3  }
0x36: {  	p1 =	seq.s32 s10, $0x1;
	s10 =	sld [smem:$0x3FBB];
	_ =	sdelay $0x3  }
0x37: {  	[smem:$0x3FBB] =	sst s10  }
0x38: {  	s10 =	sld [smem:$0x3FBC]  }
0x39: {  	_ = 	snop;
	(pc) =	sbr.ind lr, $3  }
0x3a: {  	_ = 	snop  }
0x3b: {  	_ = 	snop  }
0x3c: {  	p2 =	seq.s32 s10, $0x1;
	s10 =	sld [smem:$0x3FBB]  }
0x3d: {  	_ =	shalt  }
0x3e: {  	_ =	shalt  }
0x3f: {  	_ =	shalt  }
0x40: {  	_ =	shalt  }
0x41: {  	_ =	shalt  }
0x42: {  	_ =	shalt  }
0x43: {  	_ =	shalt  }
0x44: {  	_ =	shalt  }
0x45: {  	_ =	shalt  }
0x46: {  	_ =	shalt  }
0x47: {  	_ =	shalt  }
0x48: {  	_ =	shalt  }
0x49: {  	_ =	shalt  }
0x4a: {  	_ =	shalt  }
0x4b: {  	_ =	shalt  }
0x4c: {  	_ =	shalt  }
0x4d: {  	_ =	shalt  }
0x4e: {  	_ =	shalt  }
0x4f: {  	_ =	shalt  }
0x50: {  	_ =	shalt  }
0x51: {  	_ =	shalt  }
0x52: {  	_ =	shalt  }
0x53: {  	_ =	shalt  }
0x54: {  	_ =	shalt  }
0x55: {  	_ =	shalt  }
0x56: {  	_ =	shalt  }
0x57: {  	_ =	shalt  }
0x58: {  	_ =	shalt  }
0x59: {  	_ =	shalt  }
0x5a: {  	_ =	shalt  }
0x5b: {  	_ =	shalt  }
0x5c: {  	_ =	shalt  }
0x5d: {  	_ =	shalt  }
0x5e: {  	_ =	shalt  }
0x5f: {  	_ =	shalt  }
0x60: {  	_ =	shalt  }
0x61: {  	_ =	shalt  }
0x62: {  	_ =	shalt  }
0x63: {  	_ =	shalt  }
0x64: {  	_ =	shalt  }
0x65: {  	_ =	shalt  }
0x66: {  	_ =	shalt  }
0x67: {  	_ =	shalt  }
0x68: {  	_ =	shalt  }
0x69: {  	_ =	shalt  }
0x6a: {  	_ =	shalt  }
0x6b: {  	_ =	shalt  }
0x6c: {  	_ =	shalt  }
0x6d: {  	_ =	shalt  }
0x6e: {  	_ =	shalt  }
0x6f: {  	_ =	shalt  }
0x70: {  	_ =	shalt  }
0x71: {  	_ =	shalt  }
0x72: {  	_ =	shalt  }
0x73: {  	_ =	shalt  }
0x74: {  	_ =	shalt  }
0x75: {  	_ =	shalt  }
0x76: {  	_ =	shalt  }
0x77: {  	_ =	shalt  }
0x78: {  	_ =	shalt  }
0x79: {  	_ =	shalt  }
0x7a: {  	_ =	shalt  }
0x7b: {  	_ =	shalt  }
0x7c: {  	_ =	shalt  }
0x7d: {  	_ =	shalt  }
0x7e: {  	_ =	shalt  }
0x7f: {  	_ =	shalt  }
0x80: {  	_ =	shalt  }
0x81: {  	_ =	shalt  }
0x82: {  	_ =	shalt  }
0x83: {  	_ =	shalt  }
0x84: {  	_ =	shalt  }
0x85: {  	_ =	shalt  }
0x86: {  	_ =	shalt  }
0x87: {  	_ =	shalt  }
.Lfunc_end0:
.L_simem_size_0:
called_computation_lowered:
.L_overlay_start_0:
0x88: {  	s2 =	sld [smem:$0x3FD9]  }
0x89: {  	s3 =	sld [smem:$0x3FFE];
	_ =	sdelay $0x1  }
0x8a: {  	s1 =	srdreg.scid  }
0x8b: {  	s0 =	sand.u32 $0x1, s1  }
0x8c: {  	s17 =	sshll.u32 s0, $0xA;
	s2 =	sadd.s32 s3, s2  }
0x8d: {  	s2 =	sadd.s32 s2, s17  }
0x8e: {  	[smem:$0x3FC7] =	sst s2  }
0x8f: {  	_ = 	snop  }
0x90: {  	s2 =	sld [smem:$0x3FC9];
	(tm) =	ssettm $0x1  }
0x91: {  	s18 =	sld [smem:$0x3FFB];
	_ =	sdelay $0x3  }
0x92: {  	_ =	strace s18  }
0x93: {  	s3 =	sld [smem:$0x3FFC];
	_ =	sdelay $0x3  }
0x94: {  	_ =	strace s3  }
0x95: {  	s3 =	sld [smem:$0x3FFD];
	_ =	sdelay $0x3  }
0x96: {  	_ =	strace s3  }
0x97: {  	_ =	strace $0x8FFFFFFF  }
0x98: {  	s19 =	sld [smem:$0x3FDB];
	_ =	sdelay $0x1  }
0x99: {  	s4 =	simm.s32 $_scs_section_size  }
0x9a: {  	s5 =	simm.s32 $_size__tile_overlayer_lowered;
	s6 =	simm.s32 $_tile_overlayer_lowered  }
0x9b: {  	s22 =	simm.s32 $0x1BFF;
	s21 =	sshll.u32 s6, $0x1;
	s3 =	sadd.s32 s4, s19  }
0x9c: {  	s7 =	simm.s32 $0x0;
	s20 =	sshll.u32 s5, $0x1;
	s5 =	sadd.s32 s21, s3  }
0x9d: {  	[timem:s7], [sflag:s22] =	dma.local [hbm:s5], s20  }
0x9e: {  	_ =	swait.ge [sflag:s22], s20  }
0x9f: {  	s4 =	ssub.s32 $0x0, s20;
	[sflag:s22] =	ssyncset.done $0x0  }
0xa0: {  	[sflag:s22] =	ssyncadd.s32 s4;
	_ =	sdelay $0x1  }
0xa1: {  	s23 =	simm.s32 $0x1B8B  }
0xa2: {  	_ =	swait.ge [sflag:s23], $0x1  }
0xa3: {  	[sflag:s23] =	ssyncset.done $0x0  }
0xa4: {  	s25 =	simm.s32 $0x1B8E;
	s24 =	sld [smem:$0x3FFE];
	[sflag:s23] =	ssyncadd.s32 $0xFFFFFFFF  }
0xa5: {  	s26 =	simm.s32 $execute0_lowered;
	[smem:$0x3FD2] =	sst s25  }
0xa6: {  	s5 =	sshll.u32 s26, $0x1;
	_ =	strace $0x80000046;
	[dreg:$0x1] =	wrdreg $0xFFFFFFFF  }
0xa7: {  	s28 =	simm.s32 $_size_execute0_lowered;
	s3 =	sadd.s32 s3, s5;
	[dreg:$0x0] =	wrdreg $0x0  }
0xa8: {  	s5 =	sshll.u32 s28, $0x1;
	[dreg:$0x2] =	wrdreg s3  }
0xa9: {  	[dreg:$0x3] =	wrdreg s5  }
0xaa: {  	[dreg:$0x4] =	wrdreg $0xC0  }
0xab: {  	_ =	task [dreg:s7], $0x5FFFF  }
0xac: {  	[dreg:$0x1] =	wrdreg $0xFFFFFFFF  }
0xad: {  	[dreg:$0x0] =	wrdreg $0x60  }
0xae: {  	[dreg:$0x2] =	wrdreg s2  }
0xaf: {  	[dreg:$0x3] =	wrdreg s24  }
0xb0: {  	[dreg:$0x4] =	wrdreg $0x9  }
0xb1: {  	_ =	task.clear_ibuf [dreg:s7], $0x5FFFF;
	_ =	strace $0x90000046  }
0xb2: {  	s29 =	simm.s32 $0x9;
	_ =	strace $0x80000048  }
0xb3: {  	_ =	swait.ge [sflag:s29], $0x1  }
0xb4: {  	[sflag:s29] =	ssyncadd.s32 $0xFFFFFFFF  }
0xb5: {  	_ =	strace $0x90000048  }
0xb6: {  	_ =	sfence  }
0xb7: {  	s30 =	sld [smem:$0x0];
	_ =	sdelay $0x2  }
0xb8: {  	s31 =	sshll.u32 s1, $0xD;
	s1 =	sshrl.u32 s1, $0x2  }
0xb9: {  	s3 =	sand.u32 $0x4000, s31;
	s1 =	sadd.s32 s1, s30  }
0xba: {  	s0 =	sor.u32 s3, s0;
	s1 =	sshll.u32 s1, $0x11  }
0xbb: {  	s0 =	sor.u32 s1, s0  }
0xbc: {  	s0 =	sadd.s32 $0x8F2B, s0  }
0xbd: {  	[sflag:s0] =	ssyncadd.remote.s32 $0x1  }
0xbe: {  	_ =	sfence.sel $0xFFFF  }
0xbf: {  	[dreg:$0x0] =	wrdreg $0xFFFFFFFF;
	(pc) =	sbr.abs _section_cstart, $3  }
0xc0: {  	[dreg:$0x1] =	wrdreg $0xFFFFFFFF  }
0xc1: {  	_ =	task.clear_ibuf [dreg:s7], $0x2FFFF;
	_ =	strace $0x9FFFFFFF  }
0xc2: {  	(tm) =	ssettm $0x7FFFFFFF  }
0xc3: {  	_ =	shalt  }
tec
execute0_lowered:
.L_overlay_start_1:
0x0: {  	(tag) =	ssettag $0x1  }
0x1: {  	s3 =	rddreg [dreg:$0x0];
	s1 =	srdreg.scid  }
0x2: {  	s0 =	stileid.u32;
	s4 =	rddreg [dreg:$0x1]  }
0x3: {  	s2 =	simm.s32 $0x0;
	s12 =	simm.s32 $0x0;
	s5 =	sand.u32 $0x1, s1  }
0x4: {  	s6 =	sshll.u32 s0, $0x1;
	s1 =	rddreg [dreg:$0x2];
	s10 =	smul.u32 $0x4E20, s0  }
0x5: {  	s6 =	sor.u32 s5, s6;
	s25 =	ssub.s32 $0x2, s5;
	s5 =	smul.u32 $0x2710, s5  }
0x6: {  	[smem:$0x7FF] =	sst s2;
	s9 =	sadd.s32 $0x400, s4;
	s7 =	smul.u32 $0x2710, s6  }
0x7: {  	_ =	strace $0x80000047;
	s8 =	smul.u32 $0x2800, s6;
	s11 =	sshrl.u32 s25, $0x1  }
0x8: {  	s6 =	smul.u32 $0x500, s6;
	s11 =	ssub.s32 s25, s11;
	s5 =	sadd.s32 s5, s10  }
0x9: {  	s10 =	simm.s32 $0x4F00;
	s7 =	sshrl.u32 s7, $0x2;
	s28 =	sshrl.u32 s8, $0x3  }
0xa: {  	s4 =	sadd.s32 s9, s6;
	s30 =	sshrl.u32 s5, $0x4;
	s6 =	smax.u32 s11, $0x1  }
0xb: {  	s11 =	simm.s32 $0x7700;
	s26 =	sand.u32 $0x1FFE0, s7;
	s29 =	sadd.s32 s9, s28  }
0xc: {  	s31 =	sand.u32 $0x7, s30;
	s9 =	simm.s32 $0x1;
	s3 =	sadd.s32 s3, s26  }
0xd: {  	v0 =	vimm.f32 $0.0e+00;
	v1 =	vimm.f32 $1.000000000e+00;
	s5 =	sadd.s32 $0xA000, s29;
	s7 =	sshll.u32 s31, $0x5;
	s8 =	sshll.u32 s31, $0x4  }
.LBB2_1:
0xe: {  	s13 =	simm.s32 $0x40;
	s14 =	simm.s32 $0x0  }
.LBB2_2:
0xf: {  	p0 =	sne.s32 s13, $0x9DC0;
	[tilespmem:s14+$0x4F00] =	vst v0;
	s15 =	smov.u32 s13;
	s13 =	sadd.s32 $0x40, s13  }
.Ltmp0:
0x10: {  	[tilespmem:s14+$0x7700] =	vst v0;
	(pc) =	sbr.rel @p0 .LBB2_2-.Ltmp0, $2  }
0x11: {  	_ =	sdelay $0x2  }
0x12: {  	s14 =	sshra.s32 s15, $0x2  }
0x13: {  	[tilespmem:s14+$0x4F00] =	vst v0  }
0x14: {  	[tilespmem:s14+$0x7700] =	vst v0;
	s13 =	simm.s32 $0x0  }
0x15: {  	[tilespmem:s13], [sflag:$0x1] =	stream.linear.gather [hbm4b:s3+s13], $0x4F00, $0x38;
	[tilespmem:$0x9F00] =	vst v63  }
0x16: {  	s29 =	sadd.s32 $0x0, s8;
	_ =	swait.ge [sflag:s9], $0x4F00  }
0x17: {  	s30 =	sand.u32 $0xFF00, s7;
	s13 =	sand.u32 $0x70, s29;
	[sflag:s9] =	ssyncset.done $0x0  }
0x18: {  	s13 =	sor.u32 s13, s30;
	[sflag:s9] =	ssyncadd.s32 $0xFFFFB100  }
0x19: {  	v3 =	vld [tilespmem:s13+$0x0]  }
0x1a: {  	v2 =	vld [tilespmem:s13+$0x80];
	_ =	sdelay $0x5  }
0x1b: {  	s31 =	sadd.s32 $0x10, s8;
	s13 =	sadd.s32 $0x20, s7  }
0x1c: {  	s14 =	simm.s32 $0x20;
	s15 =	sand.u32 $0x70, s31;
	s16 =	sand.u32 $0xFF00, s13;
	[tilespmem:v3+s10+$0x0] =	vst.idx.add.f32.msk $0xffff, v1  }
.LBB2_4:
0x1d: {  	p0 =	sne.s32 s14, $0x2700;
	s15 =	sor.u32 s15, s16;
	[tilespmem:v2+s11+$0x0] =	vst.idx.add.f32.msk $0xffff, v1  }
0x1e: {  	v3 =	vld [tilespmem:s15+$0x0]  }
0x1f: {  	v2 =	vld [tilespmem:s15+$0x80];
	_ =	sdelay $0x2  }
.Ltmp1:
0x20: {  	(pc) =	sbr.rel @p0 .LBB2_4-.Ltmp1, $3  }
0x21: {  	_ =	sdelay $0x1  }
0x22: {  	s13 =	sadd.s32 $0x20, s13;
	s15 =	sadd.s32 s14, s8  }
0x23: {  	s16 =	sand.u32 $0xFF00, s13;
	s14 =	sadd.s32 $0x10, s14;
	s15 =	sand.u32 $0x70, s15;
	[tilespmem:v3+s10+$0x0] =	vst.idx.add.f32.msk $0xffff, v1  }
0x24: {  	_ =	sdelay $0x3  }
0x25: {  	s13 =	sor.u32 s15, s16;
	[tilespmem:v2+s11+$0x0] =	vst.idx.add.f32.msk $0xffff, v1  }
0x26: {  	v2 =	vld [tilespmem:s13+$0x0]  }
0x27: {  	v3 =	vld [tilespmem:s13+$0x80];
	_ =	sdelay $0x6  }
0x28: {  	[tilespmem:v2+s10+$0x0] =	vst.idx.add.f32.msk $0xffff, v1  }
0x29: {  	[tilespmem:v3+s11+$0x0] =	vst.idx.add.f32.msk $0xffff, v1  }
0x2a: {  	[hbm4b:s4+s2] =	stream.linear.scatter [tilespmem:s10], [sflag:$0x1], $0x2780, $0x38;
	[tilespmem:$0x9F00] =	vst v63  }
0x2b: {  	s12 =	sadd.s32 $0x1, s12;
	_ =	swait.ge [sflag:s9], $0x2780  }
0x2c: {  	p0 =	sne.s32 s12, s6;
	[sflag:s9] =	ssyncset.done $0x0  }
.Ltmp2:
0x2d: {  	[sflag:s9] =	ssyncadd.s32 $0xFFFFD880;
	(pc) =	sbr.rel @p0 .LBB2_1-.Ltmp2, $4  }
0x2e: {  	[hbm4b:s5+s2] =	stream.linear.scatter [tilespmem:s11], [sflag:$0x1], $0x2780, $0x38;
	[tilespmem:$0x9F00] =	vst v63  }
0x2f: {  	_ =	swait.ge [sflag:s9], $0x2780  }
0x30: {  	[sflag:s9] =	ssyncset.done $0x0  }
0x31: {  	[sflag:s9] =	ssyncadd.s32 $0xFFFFD880  }
0x32: {  	_ =	sfence.sel $0x180000  }
0x33: {  	[bflag:$0x0] =	sbarrier.arrive $0xFFFF  }
0x34: {  	p0 =	sne.s32 s0, $0x0;
	_ =	strace $0x90000047  }
0x35: {  	s0 =	sadd.s32 @!p0 $0x100000, s1;
	[bflag:$0x2] =	sbarrier.arrive $0xFFFF  }
0x36: {  	[sflag:s0] =	ssyncadd.tile.s32 @!p0 $0x1;
	_ =	shalt  }
.Lfunc_end2:
_tile_overlayer_lowered:
.L_overlay_start_2:
0x37: {  	(tag) =	ssettag $0x2  }
0x38: {  	s0 =	rddreg [dreg:$0x0];
	s2 =	stileid.u32  }
0x39: {  	s1 =	rddreg [dreg:$0x1];
	p0 =	sne.s32 s2, $0x0  }
0x3a: {  	s3 =	rddreg [dreg:$0x2];
	[bflag:$0x3] =	sbarrier.arrive $0xFFFF;
	s2 =	simm.s32 @!p0 $0x1C01  }
0x3b: {  	[timem:s3], [sflag:s2] =	dma.local @!p0 [hbm:s0], s1  }
0x3c: {  	s0 =	simm.s32 @!p0 $0x1  }
0x3d: {  	_ =	swait.ge @!p0 [sflag:s0], s1  }
0x3e: {  	s1 =	ssub.s32 @!p0 $0x0, s1;
	[sflag:s0] =	ssyncset.done @!p0 $0x0  }
0x3f: {  	[sflag:s0] =	ssyncadd.s32 @!p0 s1  }
0x40: {  	[bflag:$0x3] =	sbarrier.arrive $0xFFFF  }
0x41: {  	_ =	shalt  }

</sc_bundles>
